<compile_context>
chip_gen: v7x
topology: tpu7x:2x2x1
jax: 0.10.2.dev20260603
libtpu: 0.0.44.dev20260713+nightly
codegen_flags: <defaults>
</compile_context>

<pallas_src>
import functools

import jax
import jax.numpy as jnp
from jax import lax
from jax.experimental import pallas as pl
from jax.experimental.pallas import tpu as pltpu
from jax.experimental.pallas import tpu_sc as plsc

_N = 100000
_D = 128
_L = 16
_NV = _D // _L
_NW = 32

_CH = 200
_CPW = 1
_S = _CH * _CPW * _NW
_T = _N - _S
_GRID = 6
_BLK = _T // _GRID
_AW = 40


def _tc_body(x_ref, o_ref, acc_ref):
    @pl.when(pl.program_id(0) == 0)
    def _():
        acc_ref[...] = jnp.zeros_like(acc_ref)

    acc_ref[...] += jnp.sum(x_ref[...].reshape(-1, _AW, _D), axis=0)

    @pl.when(pl.program_id(0) == pl.num_programs(0) - 1)
    def _():
        o_ref[...] = jnp.sum(acc_ref[...], axis=0, keepdims=True)


def _tc_sum(x):
    return pl.pallas_call(
        _tc_body,
        grid=(_GRID,),
        in_specs=[pl.BlockSpec((_BLK, _D), lambda i: (i, 0))],
        out_specs=pl.BlockSpec((1, _D), lambda i: (0, 0)),
        out_shape=jax.ShapeDtypeStruct((1, _D), jnp.float32),
        scratch_shapes=[pltpu.VMEM((_AW, _D), jnp.float32)],
    )(x)


def _acc_chunk(buf, accs):
    def _row(r, a):
        return tuple(
            a[j] + buf[r, pl.ds(_L * j, _L)] for j in range(_NV))

    return lax.fori_loop(0, _CH, _row, accs, unroll=5)


def _sc_body(x_hbm, out_hbm, buf0, buf1, accb, sem0, sem1):
    wid = lax.axis_index("s") * 2 + lax.axis_index("c")
    bufs = (buf0, buf1)
    sems = (sem0, sem1)

    def _off(k):
        return _T + (wid + _NW * k) * _CH

    copies = [None] * _CPW
    copies[0] = pltpu.make_async_copy(
        x_hbm.at[pl.ds(_off(0), _CH)], buf0, sem0)
    copies[0].start()

    accs = tuple(jnp.zeros((_L,), jnp.float32) for _ in range(_NV))

    for ci in range(_CPW):
        if ci + 1 < _CPW:
            copies[ci + 1] = pltpu.make_async_copy(
                x_hbm.at[pl.ds(_off(ci + 1), _CH)],
                bufs[(ci + 1) % 2], sems[(ci + 1) % 2])
            copies[ci + 1].start()
        copies[ci].wait()
        accs = _acc_chunk(bufs[ci % 2], accs)

    for j in range(_NV):
        accb[0, pl.ds(_L * j, _L)] = accs[j]
    pltpu.sync_copy(accb, out_hbm.at[pl.ds(wid, 1)])


_sc_sum = functools.partial(
    pl.kernel,
    out_type=jax.ShapeDtypeStruct((_NW, _D), jnp.float32),
    mesh=plsc.VectorSubcoreMesh(core_axis_name="c", subcore_axis_name="s"),
    scratch_types=[
        pltpu.VMEM((_CH, _D), jnp.float32),
        pltpu.VMEM((_CH, _D), jnp.float32),
        pltpu.VMEM((1, _D), jnp.float32),
        pltpu.SemaphoreType.DMA,
        pltpu.SemaphoreType.DMA,
    ],
)(_sc_body)


def kernel(x):
    sc_partials = _sc_sum(x)
    tc_partial = _tc_sum(x)
    return tc_partial + jnp.sum(sc_partials, axis=0, keepdims=True)

# --- scband reference (transcript-rebuilt; emitter-appended) ---
"""Pipeline reference for scband-graph-aggr-32469952758444 (READ-ONLY COPY).

The authoritative reference and input builder live on the scoring server;
editing this copy changes nothing except your own understanding.
"""

import jax, jax.numpy as jnp
import numpy as np

def setup_inputs(seed: int = 0) -> dict:
    key = jax.random.key(seed)
    x = jax.random.normal(key, (100000, 128), dtype=jnp.float32)
    return {"x": x}

def reference(x):
    # GraphAggr with global_aggregation='sum' -> global_add_pool(x, batch=None)
    # torch_geometric global_add_pool with batch=None sums over the node dim,
    # keeping the graph dim: output shape [1, d_feat].
    return jnp.sum(x, axis=0, keepdims=True)

if __name__ == "__main__":
    import jax
    _d = setup_inputs()
    print(jax.jit(kernel)(*tuple(_d.values())))

</pallas_src>

<mosaic_0001>
#map = affine_map<(d0, d1) -> (0, 0)>
module attributes {stable_mosaic.version = 14 : i64} {
  func.func @_sc_body(%arg0: i32, %arg1: i32, %arg2: memref<100000x128xf32, #tpu.memory_space<hbm>>, %arg3: memref<32x128xf32, #tpu.memory_space<hbm>>, %arg4: memref<200x128xf32, #tpu.memory_space<vmem>>, %arg5: memref<200x128xf32, #tpu.memory_space<vmem>>, %arg6: memref<1x128xf32, #tpu.memory_space<vmem>>, %arg7: memref<!tpu.dma_semaphore, #tpu.memory_space<semaphore_mem>>, %arg8: memref<!tpu.dma_semaphore, #tpu.memory_space<semaphore_mem>>) attributes {dimension_semantics = [#tpu.dimension_semantics<core_parallel>, #tpu.dimension_semantics<subcore_parallel>], iteration_bounds = array<i64: 2, 16>, scalar_prefetch = 0 : i64, scratch_operands = 5 : i64, tpu.core_type = #tpu.core_type<sc_vector_subcore>, window_params = [{transform_indices = #map}, {transform_indices = #map}]} {
    %mul3A = arith.constant 2 : i32
    %mul3A_0 = arith.muli %arg1, %mul3A : i32
    %add3A = arith.addi %mul3A_0, %arg0 : i32
    %add3A_1 = arith.constant 0 : i32
    %add3A_2 = arith.addi %add3A, %add3A_1 : i32
    %mul3A_3 = arith.constant 200 : i32
    %mul3A_4 = arith.muli %add3A_2, %mul3A_3 : i32
    %add3A_5 = arith.constant 93600 : i32
    %add3A_6 = arith.addi %add3A_5, %mul3A_4 : i32
    %dma_start3A = arith.constant 0 : i32
    %dma_start3A_7 = tpu.memref_slice %arg2[%add3A_6, %dma_start3A] : memref<100000x128xf32, #tpu.memory_space<hbm>> -> memref<200x128xf32, #tpu.memory_space<hbm>>
    %dma_start3A_8 = arith.constant 0 : i32
    %dma_start3A_9 = tpu.memref_slice %arg2[%add3A_6, %dma_start3A_8] : memref<100000x128xf32, #tpu.memory_space<hbm>> -> memref<200x128xf32, #tpu.memory_space<hbm>>
    tpu.enqueue_dma source(%dma_start3A_9 : memref<200x128xf32, #tpu.memory_space<hbm>>) target(%arg4 : memref<200x128xf32, #tpu.memory_space<vmem>>) target_semaphore(%arg7 : memref<!tpu.dma_semaphore, #tpu.memory_space<semaphore_mem>>)
    %broadcast_in_dim3A = arith.constant 0.000000e+00 : f32
    %broadcast_in_dim3A_10 = vector.broadcast %broadcast_in_dim3A : f32 to vector<16xf32>
    %broadcast_in_dim3A_11 = arith.constant 0.000000e+00 : f32
    %broadcast_in_dim3A_12 = vector.broadcast %broadcast_in_dim3A_11 : f32 to vector<16xf32>
    %broadcast_in_dim3A_13 = arith.constant 0.000000e+00 : f32
    %broadcast_in_dim3A_14 = vector.broadcast %broadcast_in_dim3A_13 : f32 to vector<16xf32>
    %broadcast_in_dim3A_15 = arith.constant 0.000000e+00 : f32
    %broadcast_in_dim3A_16 = vector.broadcast %broadcast_in_dim3A_15 : f32 to vector<16xf32>
    %broadcast_in_dim3A_17 = arith.constant 0.000000e+00 : f32
    %broadcast_in_dim3A_18 = vector.broadcast %broadcast_in_dim3A_17 : f32 to vector<16xf32>
    %broadcast_in_dim3A_19 = arith.constant 0.000000e+00 : f32
    %broadcast_in_dim3A_20 = vector.broadcast %broadcast_in_dim3A_19 : f32 to vector<16xf32>
    %broadcast_in_dim3A_21 = arith.constant 0.000000e+00 : f32
    %broadcast_in_dim3A_22 = vector.broadcast %broadcast_in_dim3A_21 : f32 to vector<16xf32>
    %broadcast_in_dim3A_23 = arith.constant 0.000000e+00 : f32
    %broadcast_in_dim3A_24 = vector.broadcast %broadcast_in_dim3A_23 : f32 to vector<16xf32>
    %dma_wait3A = arith.constant 0 : i32
    %dma_wait3A_25 = tpu.memref_slice %arg2[%add3A_6, %dma_wait3A] : memref<100000x128xf32, #tpu.memory_space<hbm>> -> memref<200x128xf32, #tpu.memory_space<hbm>>
    %dma_wait3A_26 = arith.constant 0 : i32
    %dma_wait3A_27 = tpu.memref_slice %arg2[%add3A_6, %dma_wait3A_26] : memref<100000x128xf32, #tpu.memory_space<hbm>> -> memref<200x128xf32, #tpu.memory_space<hbm>>
    tpu.wait_dma2 semaphore(%arg7 : memref<!tpu.dma_semaphore, #tpu.memory_space<semaphore_mem>>) src(%dma_wait3A_27 : memref<200x128xf32, #tpu.memory_space<hbm>>) dst(%arg4 : memref<200x128xf32, #tpu.memory_space<vmem>>)
    %scan3A = arith.constant 0 : i32
    %scan3A_28 = arith.constant 200 : i32
    %scan3A_29 = arith.addi %scan3A, %scan3A_28 : i32
    %scan3A_30 = arith.constant 5 : i32
    %scan3A_31:8 = scf.for %scan3A_80 = %scan3A to %scan3A_29 step %scan3A_30 iter_args(%scan3A_81 = %broadcast_in_dim3A_10, %scan3A_82 = %broadcast_in_dim3A_12, %scan3A_83 = %broadcast_in_dim3A_14, %scan3A_84 = %broadcast_in_dim3A_16, %scan3A_85 = %broadcast_in_dim3A_18, %scan3A_86 = %broadcast_in_dim3A_20, %scan3A_87 = %broadcast_in_dim3A_22, %scan3A_88 = %broadcast_in_dim3A_24) -> (vector<16xf32>, vector<16xf32>, vector<16xf32>, vector<16xf32>, vector<16xf32>, vector<16xf32>, vector<16xf32>, vector<16xf32>)  : i32 {
      %get3A = arith.index_cast %scan3A_80 : i32 to index
      %get3A_89 = arith.constant 0 : index
      %get3A_90 = tpu.vector_load %arg4[%get3A, %get3A_89] {strides = array<i32>} : memref<200x128xf32, #tpu.memory_space<vmem>>, vector<1x16xf32>,
      %get3A_91 = vector.shape_cast %get3A_90 : vector<1x16xf32> to vector<16xf32>
      %add3A_92 = arith.addf %scan3A_81, %get3A_91 : vector<16xf32>
      %get3A_93 = arith.index_cast %scan3A_80 : i32 to index
      %get3A_94 = arith.constant 16 : index
      %get3A_95 = tpu.vector_load %arg4[%get3A_93, %get3A_94] {strides = array<i32>} : memref<200x128xf32, #tpu.memory_space<vmem>>, vector<1x16xf32>,
      %get3A_96 = vector.shape_cast %get3A_95 : vector<1x16xf32> to vector<16xf32>
      %add3A_97 = arith.addf %scan3A_82, %get3A_96 : vector<16xf32>
      %get3A_98 = arith.index_cast %scan3A_80 : i32 to index
      %get3A_99 = arith.constant 32 : index
      %get3A_100 = tpu.vector_load %arg4[%get3A_98, %get3A_99] {strides = array<i32>} : memref<200x128xf32, #tpu.memory_space<vmem>>, vector<1x16xf32>,
      %get3A_101 = vector.shape_cast %get3A_100 : vector<1x16xf32> to vector<16xf32>
      %add3A_102 = arith.addf %scan3A_83, %get3A_101 : vector<16xf32>
      %get3A_103 = arith.index_cast %scan3A_80 : i32 to index
      %get3A_104 = arith.constant 48 : index
      %get3A_105 = tpu.vector_load %arg4[%get3A_103, %get3A_104] {strides = array<i32>} : memref<200x128xf32, #tpu.memory_space<vmem>>, vector<1x16xf32>,
      %get3A_106 = vector.shape_cast %get3A_105 : vector<1x16xf32> to vector<16xf32>
      %add3A_107 = arith.addf %scan3A_84, %get3A_106 : vector<16xf32>
      %get3A_108 = arith.index_cast %scan3A_80 : i32 to index
      %get3A_109 = arith.constant 64 : index
      %get3A_110 = tpu.vector_load %arg4[%get3A_108, %get3A_109] {strides = array<i32>} : memref<200x128xf32, #tpu.memory_space<vmem>>, vector<1x16xf32>,
      %get3A_111 = vector.shape_cast %get3A_110 : vector<1x16xf32> to vector<16xf32>
      %add3A_112 = arith.addf %scan3A_85, %get3A_111 : vector<16xf32>
      %get3A_113 = arith.index_cast %scan3A_80 : i32 to index
      %get3A_114 = arith.constant 80 : index
      %get3A_115 = tpu.vector_load %arg4[%get3A_113, %get3A_114] {strides = array<i32>} : memref<200x128xf32, #tpu.memory_space<vmem>>, vector<1x16xf32>,
      %get3A_116 = vector.shape_cast %get3A_115 : vector<1x16xf32> to vector<16xf32>
      %add3A_117 = arith.addf %scan3A_86, %get3A_116 : vector<16xf32>
      %get3A_118 = arith.index_cast %scan3A_80 : i32 to index
      %get3A_119 = arith.constant 96 : index
      %get3A_120 = tpu.vector_load %arg4[%get3A_118, %get3A_119] {strides = array<i32>} : memref<200x128xf32, #tpu.memory_space<vmem>>, vector<1x16xf32>,
      %get3A_121 = vector.shape_cast %get3A_120 : vector<1x16xf32> to vector<16xf32>
      %add3A_122 = arith.addf %scan3A_87, %get3A_121 : vector<16xf32>
      %get3A_123 = arith.index_cast %scan3A_80 : i32 to index
      %get3A_124 = arith.constant 112 : index
      %get3A_125 = tpu.vector_load %arg4[%get3A_123, %get3A_124] {strides = array<i32>} : memref<200x128xf32, #tpu.memory_space<vmem>>, vector<1x16xf32>,
      %get3A_126 = vector.shape_cast %get3A_125 : vector<1x16xf32> to vector<16xf32>
      %add3A_127 = arith.addf %scan3A_88, %get3A_126 : vector<16xf32>
      %scan3A_128 = arith.constant 1 : i32
      %scan3A_129 = arith.addi %scan3A_80, %scan3A_128 : i32
      %get3A_130 = arith.index_cast %scan3A_129 : i32 to index
      %get3A_131 = arith.constant 0 : index
      %get3A_132 = tpu.vector_load %arg4[%get3A_130, %get3A_131] {strides = array<i32>} : memref<200x128xf32, #tpu.memory_space<vmem>>, vector<1x16xf32>,
      %get3A_133 = vector.shape_cast %get3A_132 : vector<1x16xf32> to vector<16xf32>
      %add3A_134 = arith.addf %add3A_92, %get3A_133 : vector<16xf32>
      %get3A_135 = arith.index_cast %scan3A_129 : i32 to index
      %get3A_136 = arith.constant 16 : index
      %get3A_137 = tpu.vector_load %arg4[%get3A_135, %get3A_136] {strides = array<i32>} : memref<200x128xf32, #tpu.memory_space<vmem>>, vector<1x16xf32>,
      %get3A_138 = vector.shape_cast %get3A_137 : vector<1x16xf32> to vector<16xf32>
      %add3A_139 = arith.addf %add3A_97, %get3A_138 : vector<16xf32>
      %get3A_140 = arith.index_cast %scan3A_129 : i32 to index
      %get3A_141 = arith.constant 32 : index
      %get3A_142 = tpu.vector_load %arg4[%get3A_140, %get3A_141] {strides = array<i32>} : memref<200x128xf32, #tpu.memory_space<vmem>>, vector<1x16xf32>,
      %get3A_143 = vector.shape_cast %get3A_142 : vector<1x16xf32> to vector<16xf32>
      %add3A_144 = arith.addf %add3A_102, %get3A_143 : vector<16xf32>
      %get3A_145 = arith.index_cast %scan3A_129 : i32 to index
      %get3A_146 = arith.constant 48 : index
      %get3A_147 = tpu.vector_load %arg4[%get3A_145, %get3A_146] {strides = array<i32>} : memref<200x128xf32, #tpu.memory_space<vmem>>, vector<1x16xf32>,
      %get3A_148 = vector.shape_cast %get3A_147 : vector<1x16xf32> to vector<16xf32>
      %add3A_149 = arith.addf %add3A_107, %get3A_148 : vector<16xf32>
      %get3A_150 = arith.index_cast %scan3A_129 : i32 to index
      %get3A_151 = arith.constant 64 : index
      %get3A_152 = tpu.vector_load %arg4[%get3A_150, %get3A_151] {strides = array<i32>} : memref<200x128xf32, #tpu.memory_space<vmem>>, vector<1x16xf32>,
      %get3A_153 = vector.shape_cast %get3A_152 : vector<1x16xf32> to vector<16xf32>
      %add3A_154 = arith.addf %add3A_112, %get3A_153 : vector<16xf32>
      %get3A_155 = arith.index_cast %scan3A_129 : i32 to index
      %get3A_156 = arith.constant 80 : index
      %get3A_157 = tpu.vector_load %arg4[%get3A_155, %get3A_156] {strides = array<i32>} : memref<200x128xf32, #tpu.memory_space<vmem>>, vector<1x16xf32>,
      %get3A_158 = vector.shape_cast %get3A_157 : vector<1x16xf32> to vector<16xf32>
      %add3A_159 = arith.addf %add3A_117, %get3A_158 : vector<16xf32>
      %get3A_160 = arith.index_cast %scan3A_129 : i32 to index
      %get3A_161 = arith.constant 96 : index
      %get3A_162 = tpu.vector_load %arg4[%get3A_160, %get3A_161] {strides = array<i32>} : memref<200x128xf32, #tpu.memory_space<vmem>>, vector<1x16xf32>,
      %get3A_163 = vector.shape_cast %get3A_162 : vector<1x16xf32> to vector<16xf32>
      %add3A_164 = arith.addf %add3A_122, %get3A_163 : vector<16xf32>
      %get3A_165 = arith.index_cast %scan3A_129 : i32 to index
      %get3A_166 = arith.constant 112 : index
      %get3A_167 = tpu.vector_load %arg4[%get3A_165, %get3A_166] {strides = array<i32>} : memref<200x128xf32, #tpu.memory_space<vmem>>, vector<1x16xf32>,
      %get3A_168 = vector.shape_cast %get3A_167 : vector<1x16xf32> to vector<16xf32>
      %add3A_169 = arith.addf %add3A_127, %get3A_168 : vector<16xf32>
      %scan3A_170 = arith.constant 2 : i32
      %scan3A_171 = arith.addi %scan3A_80, %scan3A_170 : i32
      %get3A_172 = arith.index_cast %scan3A_171 : i32 to index
      %get3A_173 = arith.constant 0 : index
      %get3A_174 = tpu.vector_load %arg4[%get3A_172, %get3A_173] {strides = array<i32>} : memref<200x128xf32, #tpu.memory_space<vmem>>, vector<1x16xf32>,
      %get3A_175 = vector.shape_cast %get3A_174 : vector<1x16xf32> to vector<16xf32>
      %add3A_176 = arith.addf %add3A_134, %get3A_175 : vector<16xf32>
      %get3A_177 = arith.index_cast %scan3A_171 : i32 to index
      %get3A_178 = arith.constant 16 : index
      %get3A_179 = tpu.vector_load %arg4[%get3A_177, %get3A_178] {strides = array<i32>} : memref<200x128xf32, #tpu.memory_space<vmem>>, vector<1x16xf32>,
      %get3A_180 = vector.shape_cast %get3A_179 : vector<1x16xf32> to vector<16xf32>
      %add3A_181 = arith.addf %add3A_139, %get3A_180 : vector<16xf32>
      %get3A_182 = arith.index_cast %scan3A_171 : i32 to index
      %get3A_183 = arith.constant 32 : index
      %get3A_184 = tpu.vector_load %arg4[%get3A_182, %get3A_183] {strides = array<i32>} : memref<200x128xf32, #tpu.memory_space<vmem>>, vector<1x16xf32>,
      %get3A_185 = vector.shape_cast %get3A_184 : vector<1x16xf32> to vector<16xf32>
      %add3A_186 = arith.addf %add3A_144, %get3A_185 : vector<16xf32>
      %get3A_187 = arith.index_cast %scan3A_171 : i32 to index
      %get3A_188 = arith.constant 48 : index
      %get3A_189 = tpu.vector_load %arg4[%get3A_187, %get3A_188] {strides = array<i32>} : memref<200x128xf32, #tpu.memory_space<vmem>>, vector<1x16xf32>,
      %get3A_190 = vector.shape_cast %get3A_189 : vector<1x16xf32> to vector<16xf32>
      %add3A_191 = arith.addf %add3A_149, %get3A_190 : vector<16xf32>
      %get3A_192 = arith.index_cast %scan3A_171 : i32 to index
      %get3A_193 = arith.constant 64 : index
      %get3A_194 = tpu.vector_load %arg4[%get3A_192, %get3A_193] {strides = array<i32>} : memref<200x128xf32, #tpu.memory_space<vmem>>, vector<1x16xf32>,
      %get3A_195 = vector.shape_cast %get3A_194 : vector<1x16xf32> to vector<16xf32>
      %add3A_196 = arith.addf %add3A_154, %get3A_195 : vector<16xf32>
      %get3A_197 = arith.index_cast %scan3A_171 : i32 to index
      %get3A_198 = arith.constant 80 : index
      %get3A_199 = tpu.vector_load %arg4[%get3A_197, %get3A_198] {strides = array<i32>} : memref<200x128xf32, #tpu.memory_space<vmem>>, vector<1x16xf32>,
      %get3A_200 = vector.shape_cast %get3A_199 : vector<1x16xf32> to vector<16xf32>
      %add3A_201 = arith.addf %add3A_159, %get3A_200 : vector<16xf32>
      %get3A_202 = arith.index_cast %scan3A_171 : i32 to index
      %get3A_203 = arith.constant 96 : index
      %get3A_204 = tpu.vector_load %arg4[%get3A_202, %get3A_203] {strides = array<i32>} : memref<200x128xf32, #tpu.memory_space<vmem>>, vector<1x16xf32>,
      %get3A_205 = vector.shape_cast %get3A_204 : vector<1x16xf32> to vector<16xf32>
      %add3A_206 = arith.addf %add3A_164, %get3A_205 : vector<16xf32>
      %get3A_207 = arith.index_cast %scan3A_171 : i32 to index
      %get3A_208 = arith.constant 112 : index
      %get3A_209 = tpu.vector_load %arg4[%get3A_207, %get3A_208] {strides = array<i32>} : memref<200x128xf32, #tpu.memory_space<vmem>>, vector<1x16xf32>,
      %get3A_210 = vector.shape_cast %get3A_209 : vector<1x16xf32> to vector<16xf32>
      %add3A_211 = arith.addf %add3A_169, %get3A_210 : vector<16xf32>
      %scan3A_212 = arith.constant 3 : i32
      %scan3A_213 = arith.addi %scan3A_80, %scan3A_212 : i32
      %get3A_214 = arith.index_cast %scan3A_213 : i32 to index
      %get3A_215 = arith.constant 0 : index
      %get3A_216 = tpu.vector_load %arg4[%get3A_214, %get3A_215] {strides = array<i32>} : memref<200x128xf32, #tpu.memory_space<vmem>>, vector<1x16xf32>,
      %get3A_217 = vector.shape_cast %get3A_216 : vector<1x16xf32> to vector<16xf32>
      %add3A_218 = arith.addf %add3A_176, %get3A_217 : vector<16xf32>
      %get3A_219 = arith.index_cast %scan3A_213 : i32 to index
      %get3A_220 = arith.constant 16 : index
      %get3A_221 = tpu.vector_load %arg4[%get3A_219, %get3A_220] {strides = array<i32>} : memref<200x128xf32, #tpu.memory_space<vmem>>, vector<1x16xf32>,
      %get3A_222 = vector.shape_cast %get3A_221 : vector<1x16xf32> to vector<16xf32>
      %add3A_223 = arith.addf %add3A_181, %get3A_222 : vector<16xf32>
      %get3A_224 = arith.index_cast %scan3A_213 : i32 to index
      %get3A_225 = arith.constant 32 : index
      %get3A_226 = tpu.vector_load %arg4[%get3A_224, %get3A_225] {strides = array<i32>} : memref<200x128xf32, #tpu.memory_space<vmem>>, vector<1x16xf32>,
      %get3A_227 = vector.shape_cast %get3A_226 : vector<1x16xf32> to vector<16xf32>
      %add3A_228 = arith.addf %add3A_186, %get3A_227 : vector<16xf32>
      %get3A_229 = arith.index_cast %scan3A_213 : i32 to index
      %get3A_230 = arith.constant 48 : index
      %get3A_231 = tpu.vector_load %arg4[%get3A_229, %get3A_230] {strides = array<i32>} : memref<200x128xf32, #tpu.memory_space<vmem>>, vector<1x16xf32>,
      %get3A_232 = vector.shape_cast %get3A_231 : vector<1x16xf32> to vector<16xf32>
      %add3A_233 = arith.addf %add3A_191, %get3A_232 : vector<16xf32>
      %get3A_234 = arith.index_cast %scan3A_213 : i32 to index
      %get3A_235 = arith.constant 64 : index
      %get3A_236 = tpu.vector_load %arg4[%get3A_234, %get3A_235] {strides = array<i32>} : memref<200x128xf32, #tpu.memory_space<vmem>>, vector<1x16xf32>,
      %get3A_237 = vector.shape_cast %get3A_236 : vector<1x16xf32> to vector<16xf32>
      %add3A_238 = arith.addf %add3A_196, %get3A_237 : vector<16xf32>
      %get3A_239 = arith.index_cast %scan3A_213 : i32 to index
      %get3A_240 = arith.constant 80 : index
      %get3A_241 = tpu.vector_load %arg4[%get3A_239, %get3A_240] {strides = array<i32>} : memref<200x128xf32, #tpu.memory_space<vmem>>, vector<1x16xf32>,
      %get3A_242 = vector.shape_cast %get3A_241 : vector<1x16xf32> to vector<16xf32>
      %add3A_243 = arith.addf %add3A_201, %get3A_242 : vector<16xf32>
      %get3A_244 = arith.index_cast %scan3A_213 : i32 to index
      %get3A_245 = arith.constant 96 : index
      %get3A_246 = tpu.vector_load %arg4[%get3A_244, %get3A_245] {strides = array<i32>} : memref<200x128xf32, #tpu.memory_space<vmem>>, vector<1x16xf32>,
      %get3A_247 = vector.shape_cast %get3A_246 : vector<1x16xf32> to vector<16xf32>
      %add3A_248 = arith.addf %add3A_206, %get3A_247 : vector<16xf32>
      %get3A_249 = arith.index_cast %scan3A_213 : i32 to index
      %get3A_250 = arith.constant 112 : index
      %get3A_251 = tpu.vector_load %arg4[%get3A_249, %get3A_250] {strides = array<i32>} : memref<200x128xf32, #tpu.memory_space<vmem>>, vector<1x16xf32>,
      %get3A_252 = vector.shape_cast %get3A_251 : vector<1x16xf32> to vector<16xf32>
      %add3A_253 = arith.addf %add3A_211, %get3A_252 : vector<16xf32>
      %scan3A_254 = arith.constant 4 : i32
      %scan3A_255 = arith.addi %scan3A_80, %scan3A_254 : i32
      %get3A_256 = arith.index_cast %scan3A_255 : i32 to index
      %get3A_257 = arith.constant 0 : index
      %get3A_258 = tpu.vector_load %arg4[%get3A_256, %get3A_257] {strides = array<i32>} : memref<200x128xf32, #tpu.memory_space<vmem>>, vector<1x16xf32>,
      %get3A_259 = vector.shape_cast %get3A_258 : vector<1x16xf32> to vector<16xf32>
      %add3A_260 = arith.addf %add3A_218, %get3A_259 : vector<16xf32>
      %get3A_261 = arith.index_cast %scan3A_255 : i32 to index
      %get3A_262 = arith.constant 16 : index
      %get3A_263 = tpu.vector_load %arg4[%get3A_261, %get3A_262] {strides = array<i32>} : memref<200x128xf32, #tpu.memory_space<vmem>>, vector<1x16xf32>,
      %get3A_264 = vector.shape_cast %get3A_263 : vector<1x16xf32> to vector<16xf32>
      %add3A_265 = arith.addf %add3A_223, %get3A_264 : vector<16xf32>
      %get3A_266 = arith.index_cast %scan3A_255 : i32 to index
      %get3A_267 = arith.constant 32 : index
      %get3A_268 = tpu.vector_load %arg4[%get3A_266, %get3A_267] {strides = array<i32>} : memref<200x128xf32, #tpu.memory_space<vmem>>, vector<1x16xf32>,
      %get3A_269 = vector.shape_cast %get3A_268 : vector<1x16xf32> to vector<16xf32>
      %add3A_270 = arith.addf %add3A_228, %get3A_269 : vector<16xf32>
      %get3A_271 = arith.index_cast %scan3A_255 : i32 to index
      %get3A_272 = arith.constant 48 : index
      %get3A_273 = tpu.vector_load %arg4[%get3A_271, %get3A_272] {strides = array<i32>} : memref<200x128xf32, #tpu.memory_space<vmem>>, vector<1x16xf32>,
      %get3A_274 = vector.shape_cast %get3A_273 : vector<1x16xf32> to vector<16xf32>
      %add3A_275 = arith.addf %add3A_233, %get3A_274 : vector<16xf32>
      %get3A_276 = arith.index_cast %scan3A_255 : i32 to index
      %get3A_277 = arith.constant 64 : index
      %get3A_278 = tpu.vector_load %arg4[%get3A_276, %get3A_277] {strides = array<i32>} : memref<200x128xf32, #tpu.memory_space<vmem>>, vector<1x16xf32>,
      %get3A_279 = vector.shape_cast %get3A_278 : vector<1x16xf32> to vector<16xf32>
      %add3A_280 = arith.addf %add3A_238, %get3A_279 : vector<16xf32>
      %get3A_281 = arith.index_cast %scan3A_255 : i32 to index
      %get3A_282 = arith.constant 80 : index
      %get3A_283 = tpu.vector_load %arg4[%get3A_281, %get3A_282] {strides = array<i32>} : memref<200x128xf32, #tpu.memory_space<vmem>>, vector<1x16xf32>,
      %get3A_284 = vector.shape_cast %get3A_283 : vector<1x16xf32> to vector<16xf32>
      %add3A_285 = arith.addf %add3A_243, %get3A_284 : vector<16xf32>
      %get3A_286 = arith.index_cast %scan3A_255 : i32 to index
      %get3A_287 = arith.constant 96 : index
      %get3A_288 = tpu.vector_load %arg4[%get3A_286, %get3A_287] {strides = array<i32>} : memref<200x128xf32, #tpu.memory_space<vmem>>, vector<1x16xf32>,
      %get3A_289 = vector.shape_cast %get3A_288 : vector<1x16xf32> to vector<16xf32>
      %add3A_290 = arith.addf %add3A_248, %get3A_289 : vector<16xf32>
      %get3A_291 = arith.index_cast %scan3A_255 : i32 to index
      %get3A_292 = arith.constant 112 : index
      %get3A_293 = tpu.vector_load %arg4[%get3A_291, %get3A_292] {strides = array<i32>} : memref<200x128xf32, #tpu.memory_space<vmem>>, vector<1x16xf32>,
      %get3A_294 = vector.shape_cast %get3A_293 : vector<1x16xf32> to vector<16xf32>
      %add3A_295 = arith.addf %add3A_253, %get3A_294 : vector<16xf32>
      scf.yield %add3A_260, %add3A_265, %add3A_270, %add3A_275, %add3A_280, %add3A_285, %add3A_290, %add3A_295 : vector<16xf32>, vector<16xf32>, vector<16xf32>, vector<16xf32>, vector<16xf32>, vector<16xf32>, vector<16xf32>, vector<16xf32>
    }
    %scan3A_32 = arith.constant 200 : i32
    %swap3A = arith.constant 0 : i32
    %swap3A_33 = arith.index_cast %swap3A : i32 to index
    %swap3A_34 = arith.constant 0 : index
    %swap3A_35 = tpu.vector_load %arg6[%swap3A_33, %swap3A_34] {strides = array<i32>} : memref<1x128xf32, #tpu.memory_space<vmem>>, vector<1x16xf32>,
    %swap3A_36 = vector.shape_cast %swap3A_35 : vector<1x16xf32> to vector<16xf32>
    %swap3A_37 = vector.shape_cast %scan3A_31#0 : vector<16xf32> to vector<1x16xf32>
    tpu.vector_store %arg6[%swap3A_33, %swap3A_34], %swap3A_37 {strides = array<i32>} : memref<1x128xf32, #tpu.memory_space<vmem>>, vector<1x16xf32>,
    %swap3A_38 = arith.constant 0 : i32
    %swap3A_39 = arith.index_cast %swap3A_38 : i32 to index
    %swap3A_40 = arith.constant 16 : index
    %swap3A_41 = tpu.vector_load %arg6[%swap3A_39, %swap3A_40] {strides = array<i32>} : memref<1x128xf32, #tpu.memory_space<vmem>>, vector<1x16xf32>,
    %swap3A_42 = vector.shape_cast %swap3A_41 : vector<1x16xf32> to vector<16xf32>
    %swap3A_43 = vector.shape_cast %scan3A_31#1 : vector<16xf32> to vector<1x16xf32>
    tpu.vector_store %arg6[%swap3A_39, %swap3A_40], %swap3A_43 {strides = array<i32>} : memref<1x128xf32, #tpu.memory_space<vmem>>, vector<1x16xf32>,
    %swap3A_44 = arith.constant 0 : i32
    %swap3A_45 = arith.index_cast %swap3A_44 : i32 to index
    %swap3A_46 = arith.constant 32 : index
    %swap3A_47 = tpu.vector_load %arg6[%swap3A_45, %swap3A_46] {strides = array<i32>} : memref<1x128xf32, #tpu.memory_space<vmem>>, vector<1x16xf32>,
    %swap3A_48 = vector.shape_cast %swap3A_47 : vector<1x16xf32> to vector<16xf32>
    %swap3A_49 = vector.shape_cast %scan3A_31#2 : vector<16xf32> to vector<1x16xf32>
    tpu.vector_store %arg6[%swap3A_45, %swap3A_46], %swap3A_49 {strides = array<i32>} : memref<1x128xf32, #tpu.memory_space<vmem>>, vector<1x16xf32>,
    %swap3A_50 = arith.constant 0 : i32
    %swap3A_51 = arith.index_cast %swap3A_50 : i32 to index
    %swap3A_52 = arith.constant 48 : index
    %swap3A_53 = tpu.vector_load %arg6[%swap3A_51, %swap3A_52] {strides = array<i32>} : memref<1x128xf32, #tpu.memory_space<vmem>>, vector<1x16xf32>,
    %swap3A_54 = vector.shape_cast %swap3A_53 : vector<1x16xf32> to vector<16xf32>
    %swap3A_55 = vector.shape_cast %scan3A_31#3 : vector<16xf32> to vector<1x16xf32>
    tpu.vector_store %arg6[%swap3A_51, %swap3A_52], %swap3A_55 {strides = array<i32>} : memref<1x128xf32, #tpu.memory_space<vmem>>, vector<1x16xf32>,
    %swap3A_56 = arith.constant 0 : i32
    %swap3A_57 = arith.index_cast %swap3A_56 : i32 to index
    %swap3A_58 = arith.constant 64 : index
    %swap3A_59 = tpu.vector_load %arg6[%swap3A_57, %swap3A_58] {strides = array<i32>} : memref<1x128xf32, #tpu.memory_space<vmem>>, vector<1x16xf32>,
    %swap3A_60 = vector.shape_cast %swap3A_59 : vector<1x16xf32> to vector<16xf32>
    %swap3A_61 = vector.shape_cast %scan3A_31#4 : vector<16xf32> to vector<1x16xf32>
    tpu.vector_store %arg6[%swap3A_57, %swap3A_58], %swap3A_61 {strides = array<i32>} : memref<1x128xf32, #tpu.memory_space<vmem>>, vector<1x16xf32>,
    %swap3A_62 = arith.constant 0 : i32
    %swap3A_63 = arith.index_cast %swap3A_62 : i32 to index
    %swap3A_64 = arith.constant 80 : index
    %swap3A_65 = tpu.vector_load %arg6[%swap3A_63, %swap3A_64] {strides = array<i32>} : memref<1x128xf32, #tpu.memory_space<vmem>>, vector<1x16xf32>,
    %swap3A_66 = vector.shape_cast %swap3A_65 : vector<1x16xf32> to vector<16xf32>
    %swap3A_67 = vector.shape_cast %scan3A_31#5 : vector<16xf32> to vector<1x16xf32>
    tpu.vector_store %arg6[%swap3A_63, %swap3A_64], %swap3A_67 {strides = array<i32>} : memref<1x128xf32, #tpu.memory_space<vmem>>, vector<1x16xf32>,
    %swap3A_68 = arith.constant 0 : i32
    %swap3A_69 = arith.index_cast %swap3A_68 : i32 to index
    %swap3A_70 = arith.constant 96 : index
    %swap3A_71 = tpu.vector_load %arg6[%swap3A_69, %swap3A_70] {strides = array<i32>} : memref<1x128xf32, #tpu.memory_space<vmem>>, vector<1x16xf32>,
    %swap3A_72 = vector.shape_cast %swap3A_71 : vector<1x16xf32> to vector<16xf32>
    %swap3A_73 = vector.shape_cast %scan3A_31#6 : vector<16xf32> to vector<1x16xf32>
    tpu.vector_store %arg6[%swap3A_69, %swap3A_70], %swap3A_73 {strides = array<i32>} : memref<1x128xf32, #tpu.memory_space<vmem>>, vector<1x16xf32>,
    %swap3A_74 = arith.constant 0 : i32
    %swap3A_75 = arith.index_cast %swap3A_74 : i32 to index
    %swap3A_76 = arith.constant 112 : index
    %swap3A_77 = tpu.vector_load %arg6[%swap3A_75, %swap3A_76] {strides = array<i32>} : memref<1x128xf32, #tpu.memory_space<vmem>>, vector<1x16xf32>,
    %swap3A_78 = vector.shape_cast %swap3A_77 : vector<1x16xf32> to vector<16xf32>
    %swap3A_79 = vector.shape_cast %scan3A_31#7 : vector<16xf32> to vector<1x16xf32>
    tpu.vector_store %arg6[%swap3A_75, %swap3A_76], %swap3A_79 {strides = array<i32>} : memref<1x128xf32, #tpu.memory_space<vmem>>, vector<1x16xf32>,
    "tpu.region"() ({
      %run_scoped3A = tpu.sem_alloc : memref<!tpu.dma_semaphore, #tpu.memory_space<semaphore_mem>>
      %dma_start3A_80 = arith.constant 0 : i32
      %dma_start3A_81 = tpu.memref_slice %arg3[%add3A, %dma_start3A_80] : memref<32x128xf32, #tpu.memory_space<hbm>> -> memref<1x128xf32, #tpu.memory_space<hbm>>
      %dma_start3A_82 = arith.constant 0 : i32
      %dma_start3A_83 = tpu.memref_slice %arg3[%add3A, %dma_start3A_82] : memref<32x128xf32, #tpu.memory_space<hbm>> -> memref<1x128xf32, #tpu.memory_space<hbm>>
      tpu.enqueue_dma source(%arg6 : memref<1x128xf32, #tpu.memory_space<vmem>>) target(%dma_start3A_83 : memref<1x128xf32, #tpu.memory_space<hbm>>) target_semaphore(%run_scoped3A : memref<!tpu.dma_semaphore, #tpu.memory_space<semaphore_mem>>)
      %dma_wait3A_84 = arith.constant 0 : i32
      %dma_wait3A_85 = tpu.memref_slice %arg3[%add3A, %dma_wait3A_84] : memref<32x128xf32, #tpu.memory_space<hbm>> -> memref<1x128xf32, #tpu.memory_space<hbm>>
      %dma_wait3A_86 = arith.constant 0 : i32
      %dma_wait3A_87 = tpu.memref_slice %arg3[%add3A, %dma_wait3A_86] : memref<32x128xf32, #tpu.memory_space<hbm>> -> memref<1x128xf32, #tpu.memory_space<hbm>>
      tpu.wait_dma2 semaphore(%run_scoped3A : memref<!tpu.dma_semaphore, #tpu.memory_space<semaphore_mem>>) src(%arg6 : memref<1x128xf32, #tpu.memory_space<vmem>>) dst(%dma_wait3A_87 : memref<1x128xf32, #tpu.memory_space<hbm>>)
      tpu.yield
    }) : () -> ()
    return
  }
}

module attributes {stable_mosaic.version = 14 : i64} {
  func.func @_tc_body(%arg0: i32, %arg1: memref<15600x128xf32, #tpu.memory_space<vmem>>, %arg2: memref<1x128xf32, #tpu.memory_space<vmem>>, %arg3: memref<40x128xf32, #tpu.memory_space<vmem>>) attributes {dimension_semantics = [#tpu.dimension_semantics<arbitrary>], iteration_bounds = array<i64: 6>, scalar_prefetch = 0 : i64, scratch_operands = 1 : i64, tpu.core_type = #tpu.core_type<tc>, window_params = [{transform_indices = @transform_0, window_bounds = array<i64: 15600, 128>}, {pipeline_mode = #tpu.pipeline_mode<synchronous>, transform_indices = @transform_1, window_bounds = array<i64: 1, 128>}]} {
    %eq3A = arith.constant 0 : i32
    %eq3A_0 = arith.cmpi eq, %arg0, %eq3A : i32
    %convert_element_type3A = arith.extui %eq3A_0 : i1 to i32
    %cond3A = arith.constant 0 : i32
    %cond3A_1 = arith.cmpi ne, %convert_element_type3A, %cond3A : i32
    scf.if %cond3A_1 {
      %broadcast_in_dim3A = arith.constant 0.000000e+00 : f32
      %broadcast_in_dim3A_15 = vector.broadcast %broadcast_in_dim3A : f32 to vector<40x128xf32>
      %swap3A_16 = arith.constant 0 : index
      %swap3A_17 = arith.constant 0 : index
      %swap3A_18 = vector.load %arg3[%swap3A_16, %swap3A_17] : memref<40x128xf32, #tpu.memory_space<vmem>>, vector<40x128xf32>
      tpu.vector_store %arg3[%swap3A_16, %swap3A_17], %broadcast_in_dim3A_15 {strides = array<i32>} : memref<40x128xf32, #tpu.memory_space<vmem>>, vector<40x128xf32>,
    } else {
    }
    %get3A = arith.constant 0 : index
    %get3A_2 = arith.constant 0 : index
    %get3A_3 = vector.load %arg3[%get3A, %get3A_2] : memref<40x128xf32, #tpu.memory_space<vmem>>, vector<40x128xf32>
    %get3A_4 = arith.constant 0 : index
    %get3A_5 = arith.constant 0 : index
    %get3A_6 = vector.load %arg1[%get3A_4, %get3A_5] : memref<15600x128xf32, #tpu.memory_space<vmem>>, vector<15600x128xf32>
    %reshape3A = vector.shape_cast %get3A_6 : vector<15600x128xf32> to vector<390x40x128xf32>
    %reduce_sum3A = arith.constant dense<0.000000e+00> : vector<40x128xf32>
    %reduce_sum3A_7 = vector.multi_reduction <add>, %reshape3A, %reduce_sum3A [0] : vector<390x40x128xf32> to vector<40x128xf32>
    %add3A = arith.addf %get3A_3, %reduce_sum3A_7 : vector<40x128xf32>
    %swap3A = arith.constant 0 : index
    %swap3A_8 = arith.constant 0 : index
    %swap3A_9 = vector.load %arg3[%swap3A, %swap3A_8] : memref<40x128xf32, #tpu.memory_space<vmem>>, vector<40x128xf32>
    tpu.vector_store %arg3[%swap3A, %swap3A_8], %add3A {strides = array<i32>} : memref<40x128xf32, #tpu.memory_space<vmem>>, vector<40x128xf32>,
    %eq3A_10 = arith.constant 5 : i32
    %eq3A_11 = arith.cmpi eq, %arg0, %eq3A_10 : i32
    %convert_element_type3A_12 = arith.extui %eq3A_11 : i1 to i32
    %cond3A_13 = arith.constant 0 : i32
    %cond3A_14 = arith.cmpi ne, %convert_element_type3A_12, %cond3A_13 : i32
    scf.if %cond3A_14 {
      %get3A_15 = arith.constant 0 : index
      %get3A_16 = arith.constant 0 : index
      %get3A_17 = vector.load %arg3[%get3A_15, %get3A_16] : memref<40x128xf32, #tpu.memory_space<vmem>>, vector<40x128xf32>
      %reduce_sum3A_18 = arith.constant dense<0.000000e+00> : vector<128xf32>
      %reduce_sum3A_19 = vector.multi_reduction <add>, %get3A_17, %reduce_sum3A_18 [0] : vector<40x128xf32> to vector<128xf32>
      %broadcast_in_dim3A = vector.shape_cast %reduce_sum3A_19 : vector<128xf32> to vector<1x128xf32>
      %swap3A_20 = arith.constant 0 : index
      %swap3A_21 = arith.constant 0 : index
      %swap3A_22 = vector.load %arg2[%swap3A_20, %swap3A_21] : memref<1x128xf32, #tpu.memory_space<vmem>>, vector<1x128xf32>
      tpu.vector_store %arg2[%swap3A_20, %swap3A_21], %broadcast_in_dim3A {strides = array<i32>} : memref<1x128xf32, #tpu.memory_space<vmem>>, vector<1x128xf32>,
    } else {
    }
    return
  }
  func.func @transform_0(%arg0: i32) -> (i32, i32) {
    %c0_i32 = arith.constant 0 : i32
    %c0_i32_0 = arith.constant 0 : i32
    return %arg0, %c0_i32 : i32, i32
  }
  func.func @transform_1(%arg0: i32) -> (i32, i32) {
    %c0_i32 = arith.constant 0 : i32
    %c0_i32_0 = arith.constant 0 : i32
    %c0_i32_1 = arith.constant 0 : i32
    return %c0_i32, %c0_i32_0 : i32, i32
  }
}

</mosaic_0001>

<sc_bundles>
// kernel: kernel.4.cloned.1.call-start
scs
__scs_entry_jumppad:
0x0: {  	(pc) =	sbr.rel $0x88, $3  }
0x1: {  	(tag) =	ssettag $0x0;
	lr =	simm.s32 $0x1  }
0x2: {  	[smem:$0x3FA0] =	sst lr;
	_ =	strace $0xD0000000  }
0x3: {  	_ = 	snop  }
0x4: {  	_ = 	snop  }
0x5: {  	_ = 	snop  }
0x6: {  	_ = 	snop  }
0x7: {  	_ = 	snop  }
__scs_overlays_trampoline_lowered:
0x8: {  	[smem:$0x3FAF] =	sst s0  }
0x9: {  	[smem:$0x3FB0] =	sst s1  }
0xa: {  	[smem:$0x3FB1] =	sst s2  }
0xb: {  	[smem:$0x3FB2] =	sst s3  }
0xc: {  	[smem:$0x3FB3] =	sst s4  }
0xd: {  	[smem:$0x3FB4] =	sst s5  }
0xe: {  	[smem:$0x3FB5] =	sst s6  }
0xf: {  	[smem:$0x3FB6] =	sst s7  }
0x10: {  	[smem:$0x3FB7] =	sst s8  }
0x11: {  	[smem:$0x3FB8] =	sst s9;
	s0 =	simm.s32 @!p0 $0x0  }
0x12: {  	s1 =	sld [smem:$0x3F9E];
	s0 =	simm.s32 @p0 $0x1  }
0x13: {  	[smem:$0x3FB9] =	sst s0;
	s0 =	simm.s32 @!p1 $0x0  }
0x14: {  	s2 =	sld [smem:$0x3F9D];
	s0 =	simm.s32 @p1 $0x1  }
0x15: {  	[smem:$0x3FBA] =	sst s0;
	s0 =	simm.s32 @!p2 $0x0  }
0x16: {  	s3 =	sld [smem:$0x3FDB];
	s0 =	simm.s32 @p2 $0x1  }
0x17: {  	s4 =	simm.s32 $0x1BF5;
	[smem:$0x3FBC] =	sst s0  }
0x18: {  	s0 =	sld [smem:$0x3F9F];
	_ =	swait.ge [sflag:s4], $0x0  }
0x19: {  	s7 =	sld [smem:$0x3FA0]  }
0x1a: {  	s8 =	sadd.s32 $0xFFFFE003, lr  }
0x1b: {  	s9 =	sadd.s32 $0xFFFFFEF7, lr;
	s5 =	simm.s32 $0xFFFFFFFF;
	p2 =	slt.u32 s8, $0xFFFFF086  }
0x1c: {  	p1 =	slt.u32 s9, $0xF7A;
	s5 =	simm.s32 @!p2 $0x0  }
0x1d: {  	s5 =	simm.s32 @p1 $0x1;
	p0 =	seq.s32 s7, s2  }
0x1e: {  	s7 =	smul.u32 @!p0 $0xF7A, s2;
	p2 =	seq.s32 @!p0 s5, $0x0  }
0x1f: {  	s9 =	smul.u32 $0xF7A, s1;
	s8 =	simm.s32 @!p0 $0x1BF5;
	p2 =	por !p2, p0  }
0x20: {  	[sflag:s8] =	ssyncset.s32 @!p0 $0xFFFFF086;
	s6 =	sadd.s32 @!p0 s3, s7;
	s7 =	simm.s32 @!p0 $0x108  }
0x21: {  	s3 =	sadd.s32 s3, s9;
	s6 =	sadd.s32 @!p0 $0x88, s6;
	s7 =	simm.s32 @p2 $0x1082  }
0x22: {  	[simem:s7], [sflag:s8] =	dma.local @!p0 [hbm:s6], $0xF7A  }
0x23: {  	s9 =	sor.u32 $0xD0000000, s2;
	s6 =	simm.s32 $0x108;
	_ =	swait.ge @!p0 [sflag:s8], $0x0  }
0x24: {  	s3 =	sadd.s32 $0x88, s3;
	s6 =	simm.s32 @!p1 $0x1082;
	[sflag:s4] =	ssyncset.s32 $0xFFFFF086  }
0x25: {  	[simem:s6], [sflag:s4] =	dma.local [hbm:s3], $0xF7A  }
0x26: {  	[smem:$0x3FA0] =	sst s1;
	(tag) =	ssettag s2;
	_ =	strace s9  }
0x27: {  	s1 =	sld [smem:$0x3FB0]  }
0x28: {  	s2 =	sld [smem:$0x3FB1]  }
0x29: {  	s4 =	sld [smem:$0x3FB3]  }
0x2a: {  	p0 =	seq.s32 s5, $0x0;
	s5 =	sld [smem:$0x3FB4]  }
0x2b: {  	s6 =	sld [smem:$0x3FB5]  }
0x2c: {  	s7 =	sld [smem:$0x3FB6]  }
0x2d: {  	s3 =	simm.s32 $0x108;
	s8 =	sld [smem:$0x3FB7]  }
0x2e: {  	s3 =	simm.s32 @!p0 $0x1082;
	s9 =	sld [smem:$0x3FB8]  }
0x2f: {  	lr =	sadd.s32 s0, s3;
	s0 =	sld [smem:$0x3FAF]  }
0x30: {  	s3 =	sld [smem:$0x3FB2]  }
0x31: {  	[smem:$0x3FBB] =	sst s10  }
0x32: {  	s10 =	sld [smem:$0x3FB9];
	_ =	sdelay $0x3  }
0x33: {  	p0 =	seq.s32 s10, $0x1;
	s10 =	sld [smem:$0x3FBB];
	_ =	sdelay $0x3  }
0x34: {  	[smem:$0x3FBB] =	sst s10  }
0x35: {  	s10 =	sld [smem:$0x3FBA];
	_ =	sdelay $0x3  }
0x36: {  	p1 =	seq.s32 s10, $0x1;
	s10 =	sld [smem:$0x3FBB];
	_ =	sdelay $0x3  }
0x37: {  	[smem:$0x3FBB] =	sst s10  }
0x38: {  	s10 =	sld [smem:$0x3FBC]  }
0x39: {  	_ = 	snop;
	(pc) =	sbr.ind lr, $3  }
0x3a: {  	_ = 	snop  }
0x3b: {  	_ = 	snop  }
0x3c: {  	p2 =	seq.s32 s10, $0x1;
	s10 =	sld [smem:$0x3FBB]  }
0x3d: {  	_ =	shalt  }
0x3e: {  	_ =	shalt  }
0x3f: {  	_ =	shalt  }
0x40: {  	_ =	shalt  }
0x41: {  	_ =	shalt  }
0x42: {  	_ =	shalt  }
0x43: {  	_ =	shalt  }
0x44: {  	_ =	shalt  }
0x45: {  	_ =	shalt  }
0x46: {  	_ =	shalt  }
0x47: {  	_ =	shalt  }
0x48: {  	_ =	shalt  }
0x49: {  	_ =	shalt  }
0x4a: {  	_ =	shalt  }
0x4b: {  	_ =	shalt  }
0x4c: {  	_ =	shalt  }
0x4d: {  	_ =	shalt  }
0x4e: {  	_ =	shalt  }
0x4f: {  	_ =	shalt  }
0x50: {  	_ =	shalt  }
0x51: {  	_ =	shalt  }
0x52: {  	_ =	shalt  }
0x53: {  	_ =	shalt  }
0x54: {  	_ =	shalt  }
0x55: {  	_ =	shalt  }
0x56: {  	_ =	shalt  }
0x57: {  	_ =	shalt  }
0x58: {  	_ =	shalt  }
0x59: {  	_ =	shalt  }
0x5a: {  	_ =	shalt  }
0x5b: {  	_ =	shalt  }
0x5c: {  	_ =	shalt  }
0x5d: {  	_ =	shalt  }
0x5e: {  	_ =	shalt  }
0x5f: {  	_ =	shalt  }
0x60: {  	_ =	shalt  }
0x61: {  	_ =	shalt  }
0x62: {  	_ =	shalt  }
0x63: {  	_ =	shalt  }
0x64: {  	_ =	shalt  }
0x65: {  	_ =	shalt  }
0x66: {  	_ =	shalt  }
0x67: {  	_ =	shalt  }
0x68: {  	_ =	shalt  }
0x69: {  	_ =	shalt  }
0x6a: {  	_ =	shalt  }
0x6b: {  	_ =	shalt  }
0x6c: {  	_ =	shalt  }
0x6d: {  	_ =	shalt  }
0x6e: {  	_ =	shalt  }
0x6f: {  	_ =	shalt  }
0x70: {  	_ =	shalt  }
0x71: {  	_ =	shalt  }
0x72: {  	_ =	shalt  }
0x73: {  	_ =	shalt  }
0x74: {  	_ =	shalt  }
0x75: {  	_ =	shalt  }
0x76: {  	_ =	shalt  }
0x77: {  	_ =	shalt  }
0x78: {  	_ =	shalt  }
0x79: {  	_ =	shalt  }
0x7a: {  	_ =	shalt  }
0x7b: {  	_ =	shalt  }
0x7c: {  	_ =	shalt  }
0x7d: {  	_ =	shalt  }
0x7e: {  	_ =	shalt  }
0x7f: {  	_ =	shalt  }
0x80: {  	_ =	shalt  }
0x81: {  	_ =	shalt  }
0x82: {  	_ =	shalt  }
0x83: {  	_ =	shalt  }
0x84: {  	_ =	shalt  }
0x85: {  	_ =	shalt  }
0x86: {  	_ =	shalt  }
0x87: {  	_ =	shalt  }
.Lfunc_end0:
.L_simem_size_0:
called_computation_lowered:
.L_overlay_start_0:
0x88: {  	s2 =	sld [smem:$0x3FD9]  }
0x89: {  	s3 =	sld [smem:$0x3FFE];
	_ =	sdelay $0x1  }
0x8a: {  	s1 =	srdreg.scid  }
0x8b: {  	s0 =	sand.u32 $0x1, s1  }
0x8c: {  	s17 =	sshll.u32 s0, $0xA;
	s2 =	sadd.s32 s3, s2  }
0x8d: {  	s2 =	sadd.s32 s2, s17  }
0x8e: {  	[smem:$0x3FC7] =	sst s2  }
0x8f: {  	_ = 	snop  }
0x90: {  	s2 =	sld [smem:$0x3FC9];
	(tm) =	ssettm $0x1  }
0x91: {  	s18 =	sld [smem:$0x3FFB];
	_ =	sdelay $0x3  }
0x92: {  	_ =	strace s18  }
0x93: {  	s3 =	sld [smem:$0x3FFC];
	_ =	sdelay $0x3  }
0x94: {  	_ =	strace s3  }
0x95: {  	s3 =	sld [smem:$0x3FFD];
	_ =	sdelay $0x3  }
0x96: {  	_ =	strace s3  }
0x97: {  	_ =	strace $0x8FFFFFFF  }
0x98: {  	s19 =	sld [smem:$0x3FDB];
	_ =	sdelay $0x1  }
0x99: {  	s4 =	simm.s32 $_scs_section_size  }
0x9a: {  	s5 =	simm.s32 $_size__tile_overlayer_lowered;
	s6 =	simm.s32 $_tile_overlayer_lowered  }
0x9b: {  	s22 =	simm.s32 $0x1BFF;
	s21 =	sshll.u32 s6, $0x1;
	s3 =	sadd.s32 s4, s19  }
0x9c: {  	s7 =	simm.s32 $0x0;
	s20 =	sshll.u32 s5, $0x1;
	s5 =	sadd.s32 s21, s3  }
0x9d: {  	[timem:s7], [sflag:s22] =	dma.local [hbm:s5], s20  }
0x9e: {  	_ =	swait.ge [sflag:s22], s20  }
0x9f: {  	s4 =	ssub.s32 $0x0, s20;
	[sflag:s22] =	ssyncset.done $0x0  }
0xa0: {  	[sflag:s22] =	ssyncadd.s32 s4;
	_ =	sdelay $0x1  }
0xa1: {  	s23 =	simm.s32 $0x1B8B  }
0xa2: {  	_ =	swait.ge [sflag:s23], $0x1  }
0xa3: {  	[sflag:s23] =	ssyncset.done $0x0  }
0xa4: {  	s25 =	simm.s32 $0x1B8E;
	s24 =	sld [smem:$0x3FFE];
	[sflag:s23] =	ssyncadd.s32 $0xFFFFFFFF  }
0xa5: {  	s26 =	simm.s32 $execute0_lowered;
	[smem:$0x3FD2] =	sst s25  }
0xa6: {  	s5 =	sshll.u32 s26, $0x1;
	_ =	strace $0x80000046;
	[dreg:$0x1] =	wrdreg $0xFFFFFFFF  }
0xa7: {  	s28 =	simm.s32 $_size_execute0_lowered;
	s3 =	sadd.s32 s3, s5;
	[dreg:$0x0] =	wrdreg $0x0  }
0xa8: {  	s5 =	sshll.u32 s28, $0x1;
	[dreg:$0x2] =	wrdreg s3  }
0xa9: {  	[dreg:$0x3] =	wrdreg s5  }
0xaa: {  	[dreg:$0x4] =	wrdreg $0xC0  }
0xab: {  	_ =	task [dreg:s7], $0x5FFFF  }
0xac: {  	[dreg:$0x1] =	wrdreg $0xFFFFFFFF  }
0xad: {  	[dreg:$0x0] =	wrdreg $0x60  }
0xae: {  	[dreg:$0x2] =	wrdreg s2  }
0xaf: {  	[dreg:$0x3] =	wrdreg s24  }
0xb0: {  	[dreg:$0x4] =	wrdreg $0x9  }
0xb1: {  	_ =	task.clear_ibuf [dreg:s7], $0x5FFFF;
	_ =	strace $0x90000046  }
0xb2: {  	s29 =	simm.s32 $0x9;
	_ =	strace $0x80000048  }
0xb3: {  	_ =	swait.ge [sflag:s29], $0x1  }
0xb4: {  	[sflag:s29] =	ssyncadd.s32 $0xFFFFFFFF  }
0xb5: {  	_ =	strace $0x90000048  }
0xb6: {  	_ =	sfence  }
0xb7: {  	s30 =	sld [smem:$0x0];
	_ =	sdelay $0x2  }
0xb8: {  	s31 =	sshll.u32 s1, $0xD;
	s1 =	sshrl.u32 s1, $0x2  }
0xb9: {  	s3 =	sand.u32 $0x4000, s31;
	s1 =	sadd.s32 s1, s30  }
0xba: {  	s0 =	sor.u32 s3, s0;
	s1 =	sshll.u32 s1, $0x11  }
0xbb: {  	s0 =	sor.u32 s1, s0  }
0xbc: {  	s0 =	sadd.s32 $0x8F2B, s0  }
0xbd: {  	[sflag:s0] =	ssyncadd.remote.s32 $0x1  }
0xbe: {  	_ =	sfence.sel $0xFFFF  }
0xbf: {  	[dreg:$0x0] =	wrdreg $0xFFFFFFFF;
	(pc) =	sbr.abs _section_cstart, $3  }
0xc0: {  	[dreg:$0x1] =	wrdreg $0xFFFFFFFF  }
0xc1: {  	_ =	task.clear_ibuf [dreg:s7], $0x2FFFF;
	_ =	strace $0x9FFFFFFF  }
0xc2: {  	(tm) =	ssettm $0x7FFFFFFF  }
0xc3: {  	_ =	shalt  }
tec
execute0_lowered:
.L_overlay_start_1:
0x0: {  	(tag) =	ssettag $0x1  }
0x1: {  	s1 =	srdreg.scid;
	s4 =	rddreg [dreg:$0x0]  }
0x2: {  	s0 =	stileid.u32;
	s6 =	rddreg [dreg:$0x1]  }
0x3: {  	s2 =	simm.s32 $0x0;
	s3 =	sand.u32 $0x1, s1;
	s29 =	sshll.u32 s0, $0x1  }
0x4: {  	s9 =	simm.s32 $0x0;
	s1 =	rddreg [dreg:$0x2];
	s5 =	sor.u32 s3, s29  }
0x5: {  	[smem:$0x7FF] =	sst s2;
	s3 =	ssub.s32 $0x2, s3;
	s7 =	smul.u32 $0x6400, s5  }
0x6: {  	_ =	strace $0x80000047;
	s8 =	sshrl.u32 s3, $0x1;
	s31 =	sshll.u32 s5, $0x4  }
0x7: {  	s30 =	ssub.s32 s3, s8;
	s8 =	simm.s32 $0x2;
	s7 =	sshrl.u32 s7, $0x3  }
0x8: {  	s5 =	smax.u32 s30, $0x1;
	s4 =	sadd.s32 s4, s7;
	s7 =	simm.s32 $0x6400  }
0x9: {  	s3 =	sadd.s32 $0x16DA00, s4;
	s4 =	sadd.s32 s6, s31;
	s6 =	simm.s32 $0x1  }
.LBB2_1:
0xa: {  	[tilespmem:s2], [sflag:$0x1] =	stream.linear.gather [hbm4b:s3+s2], $0x6400, $0x38;
	[tilespmem:$0x6480] =	vst v63  }
0xb: {  	_ =	swait.ge [sflag:s6], $0x6400  }
0xc: {  	[sflag:s6] =	ssyncset.done $0x0  }
0xd: {  	s11 =	simm.s32 $0x140;
	[sflag:s6] =	ssyncadd.s32 $0xFFFF9C00  }
0xe: {  	v4 =	vld [tilespmem:s11+$0xC0]  }
0xf: {  	v5 =	vld [tilespmem:s11+$0xD0]  }
0x10: {  	v9 =	vld [tilespmem:s11+$0xE0]  }
0x11: {  	v10 =	vld [tilespmem:s11+$0xF0]  }
0x12: {  	v0 =	vld [tilespmem:s11+$0x100]  }
0x13: {  	v1 =	vld [tilespmem:s11+$0x110]  }
0x14: {  	v6 =	vld [tilespmem:s11+$0x40]  }
0x15: {  	v7 =	vld [tilespmem:s11+$0x50]  }
0x16: {  	v8 =	vld [tilespmem:s11+$0x60]  }
0x17: {  	v11 =	vld [tilespmem:s11+$0x70]  }
0x18: {  	v3 =	vld [tilespmem:s11+$0x80]  }
0x19: {  	v2 =	vld [tilespmem:s11+$0x90]  }
0x1a: {  	v12 =	vld [tilespmem:s11+$0xFFFFFFC0]  }
0x1b: {  	v13 =	vld [tilespmem:s11+$0xFFFFFFD0]  }
0x1c: {  	v14 =	vld [tilespmem:s11+$0xFFFFFFE0]  }
0x1d: {  	v15 =	vld [tilespmem:s11+$0xFFFFFFF0]  }
0x1e: {  	v16 =	vld [tilespmem:s11+$0xFFFFFF40]  }
0x1f: {  	v17 =	vld [tilespmem:s11+$0xFFFFFF50]  }
0x20: {  	v18 =	vld [tilespmem:s11+$0xFFFFFEC0]  }
0x21: {  	v19 =	vld [tilespmem:s11+$0xFFFFFED0]  }
0x22: {  	v20 =	vld [tilespmem:s11+$0xFFFFFEE0]  }
0x23: {  	v21 =	vld [tilespmem:s11+$0xFFFFFEF0]  }
0x24: {  	v22 =	vld [tilespmem:s11+$0xFFFFFF60]  }
0x25: {  	v23 =	vld [tilespmem:s11+$0xFFFFFF70]  }
0x26: {  	v24 =	vimm.f32 $0.0e+00;
	v25 =	vld [tilespmem:s11+$0x0]  }
0x27: {  	v26 =	vld [tilespmem:s11+$0x10];
	v18 =	vadd.f32 v18, v24;
	v19 =	vadd.f32 v19, v24  }
0x28: {  	v27 =	vld [tilespmem:s11+$0xFFFFFF80];
	v20 =	vadd.f32 v20, v24;
	v21 =	vadd.f32 v21, v24  }
0x29: {  	v62 =	vld [tilespmem:s11+$0xFFFFFF10];
	v16 =	vadd.f32 v16, v18;
	v17 =	vadd.f32 v17, v19  }
0x2a: {  	v63 =	vld [tilespmem:s11+$0xFFFFFFB0];
	v20 =	vadd.f32 v22, v20;
	v21 =	vadd.f32 v23, v21  }
0x2b: {  	v19 =	vld [tilespmem:s11+$0xFFFFFF00];
	v12 =	vadd.f32 v12, v16;
	v13 =	vadd.f32 v13, v17  }
0x2c: {  	v16 =	vld [tilespmem:s11+$0xFFFFFF20];
	v14 =	vadd.f32 v14, v20;
	v15 =	vadd.f32 v15, v21  }
0x2d: {  	v17 =	vld [tilespmem:s11+$0xFFFFFF30];
	v6 =	vadd.f32 v6, v12;
	v12 =	vadd.f32 v7, v13  }
0x2e: {  	v18 =	vld [tilespmem:s11+$0xFFFFFF90];
	v14 =	vadd.f32 v8, v14;
	v11 =	vadd.f32 v11, v15  }
0x2f: {  	v13 =	vld [tilespmem:s11+$0xFFFFFFA0];
	v7 =	vadd.f32 v4, v6;
	v6 =	vadd.f32 v5, v12  }
0x30: {  	v8 =	vld [tilespmem:s11+$0x20];
	v5 =	vadd.f32 v9, v14;
	v4 =	vadd.f32 v10, v11  }
0x31: {  	v10 =	vadd.f32 v19, v24;
	v12 =	vadd.f32 v62, v24;
	v11 =	vld [tilespmem:s11+$0x30]  }
0x32: {  	v9 =	vld [tilespmem:s11+$0xA0];
	v14 =	vadd.f32 v16, v24;
	v16 =	vadd.f32 v17, v24  }
0x33: {  	v17 =	vadd.f32 v27, v10;
	v18 =	vadd.f32 v18, v12;
	v12 =	vld [tilespmem:s11+$0xB0]  }
0x34: {  	v10 =	vld [tilespmem:s11+$0x120];
	v15 =	vadd.f32 v13, v14;
	v14 =	vadd.f32 v63, v16  }
0x35: {  	s10 =	simm.s32 $0x0;
	v13 =	vld [tilespmem:s11+$0x130];
	s11 =	simm.s32 $0x3C0;
	v17 =	vadd.f32 v25, v17;
	v16 =	vadd.f32 v26, v18  }
.LBB2_2:
0x36: {  	v18 =	vld [tilespmem:s11+$0xC0];
	v8 =	vadd.f32 v8, v15;
	v11 =	vadd.f32 v11, v14  }
0x37: {  	v14 =	vld [tilespmem:s11+$0xD0];
	v3 =	vadd.f32 v3, v17;
	v2 =	vadd.f32 v2, v16  }
0x38: {  	v15 =	vld [tilespmem:s11+$0xE0];
	v8 =	vadd.f32 v9, v8;
	v9 =	vadd.f32 v12, v11  }
0x39: {  	v11 =	vld [tilespmem:s11+$0xF0];
	v12 =	vadd.f32 v0, v3;
	v16 =	vadd.f32 v1, v2  }
0x3a: {  	v0 =	vld [tilespmem:s11+$0x100];
	v10 =	vadd.f32 v10, v8;
	v9 =	vadd.f32 v13, v9  }
0x3b: {  	v1 =	vld [tilespmem:s11+$0x110]  }
0x3c: {  	v8 =	vld [tilespmem:s11+$0x40]  }
0x3d: {  	v13 =	vld [tilespmem:s11+$0x50]  }
0x3e: {  	v17 =	vld [tilespmem:s11+$0x60]  }
0x3f: {  	v19 =	vld [tilespmem:s11+$0x70]  }
0x40: {  	v3 =	vld [tilespmem:s11+$0x80]  }
0x41: {  	v2 =	vld [tilespmem:s11+$0x90]  }
0x42: {  	v20 =	vld [tilespmem:s11+$0xFFFFFFC0]  }
0x43: {  	v21 =	vld [tilespmem:s11+$0xFFFFFFD0]  }
0x44: {  	v22 =	vld [tilespmem:s11+$0xFFFFFFE0]  }
0x45: {  	v23 =	vld [tilespmem:s11+$0xFFFFFFF0]  }
0x46: {  	v24 =	vld [tilespmem:s11+$0xFFFFFF40]  }
0x47: {  	v25 =	vld [tilespmem:s11+$0xFFFFFF50]  }
0x48: {  	v26 =	vld [tilespmem:s11+$0xFFFFFEC0]  }
0x49: {  	v27 =	vld [tilespmem:s11+$0xFFFFFED0]  }
0x4a: {  	v28 =	vld [tilespmem:s11+$0xFFFFFEE0]  }
0x4b: {  	v29 =	vld [tilespmem:s11+$0xFFFFFEF0]  }
0x4c: {  	v30 =	vld [tilespmem:s11+$0xFFFFFF60]  }
0x4d: {  	v31 =	vld [tilespmem:s11+$0xFFFFFF70]  }
0x4e: {  	v32 =	vld [tilespmem:s11+$0x0]  }
0x4f: {  	v7 =	vadd.f32 v26, v7;
	v6 =	vadd.f32 v27, v6;
	v26 =	vld [tilespmem:s11+$0x10]  }
0x50: {  	v5 =	vadd.f32 v28, v5;
	v4 =	vadd.f32 v29, v4;
	v27 =	vld [tilespmem:s11+$0xFFFFFF80]  }
0x51: {  	v7 =	vadd.f32 v24, v7;
	v6 =	vadd.f32 v25, v6;
	v24 =	vld [tilespmem:s11+$0xFFFFFF90]  }
0x52: {  	v5 =	vadd.f32 v30, v5;
	v25 =	vld [tilespmem:s11+$0xFFFFFF00];
	v4 =	vadd.f32 v31, v4  }
0x53: {  	v7 =	vadd.f32 v20, v7;
	v6 =	vadd.f32 v21, v6;
	v28 =	vld [tilespmem:s11+$0xFFFFFF10]  }
0x54: {  	v5 =	vadd.f32 v22, v5;
	v20 =	vld [tilespmem:s11+$0xFFFFFF20];
	v4 =	vadd.f32 v23, v4  }
0x55: {  	s10 =	sadd.s32 $0x5, s10;
	v7 =	vadd.f32 v8, v7;
	v6 =	vadd.f32 v13, v6;
	v21 =	vld [tilespmem:s11+$0xFFFFFF30]  }
0x56: {  	p0 =	slt.u32 s10, $0xC3;
	v5 =	vadd.f32 v17, v5;
	v13 =	vld [tilespmem:s11+$0xFFFFFFA0];
	v4 =	vadd.f32 v19, v4  }
0x57: {  	v7 =	vadd.f32 v18, v7;
	v6 =	vadd.f32 v14, v6;
	v17 =	vld [tilespmem:s11+$0xFFFFFFB0]  }
0x58: {  	v5 =	vadd.f32 v15, v5;
	v8 =	vld [tilespmem:s11+$0x20];
	v4 =	vadd.f32 v11, v4  }
.Ltmp0:
0x59: {  	v12 =	vadd.f32 v25, v12;
	v14 =	vadd.f32 v28, v16;
	v11 =	vld [tilespmem:s11+$0x30];
	(pc) =	sbr.rel @p0 .LBB2_2-.Ltmp0, $4  }
0x5a: {  	v10 =	vadd.f32 v20, v10;
	v16 =	vadd.f32 v21, v9;
	v9 =	vld [tilespmem:s11+$0xA0]  }
0x5b: {  	v18 =	vadd.f32 v27, v12;
	v19 =	vadd.f32 v24, v14;
	v12 =	vld [tilespmem:s11+$0xB0]  }
0x5c: {  	v15 =	vadd.f32 v13, v10;
	v14 =	vadd.f32 v17, v16;
	v10 =	vld [tilespmem:s11+$0x120]  }
0x5d: {  	v17 =	vadd.f32 v32, v18;
	v16 =	vadd.f32 v26, v19;
	v13 =	vld [tilespmem:s11+$0x130];
	s11 =	sadd.s32 $0x280, s11  }
0x5e: {  	_ = 	snop  }
0x5f: {  	v8 =	vadd.f32 v8, v15;
	[tilespmem:$0x6400] =	vst v7;
	v3 =	vadd.f32 v3, v17  }
0x60: {  	v59 =	vadd.f32 v11, v14;
	[tilespmem:$0x6410] =	vst v6;
	v2 =	vadd.f32 v2, v16  }
0x61: {  	[tilespmem:$0x6420] =	vst v5;
	v60 =	vadd.f32 v9, v8;
	v0 =	vadd.f32 v0, v3  }
0x62: {  	[tilespmem:$0x6430] =	vst v4;
	v61 =	vadd.f32 v12, v59;
	v1 =	vadd.f32 v1, v2  }
0x63: {  	v62 =	vadd.f32 v10, v60;
	[tilespmem:$0x6440] =	vst v0  }
0x64: {  	s9 =	sadd.s32 $0x1, s9;
	v63 =	vadd.f32 v13, v61;
	[tilespmem:$0x6450] =	vst v1  }
0x65: {  	p0 =	sne.s32 s9, s5;
	[tilespmem:$0x6460] =	vst v62  }
.Ltmp1:
0x66: {  	[tilespmem:$0x6470] =	vst v63;
	(pc) =	sbr.rel @p0 .LBB2_1-.Ltmp1, $4  }
0x67: {  	[hbm4b:s4+s2] =	stream.linear.scatter [tilespmem:s7], [sflag:$0x2], $0x80, $0x38;
	[tilespmem:$0x6480] =	vst v63  }
0x68: {  	_ =	swait.ge [sflag:s8], $0x80  }
0x69: {  	[sflag:s8] =	ssyncset.done $0x0  }
0x6a: {  	[sflag:s8] =	ssyncadd.s32 $0xFFFFFF80  }
0x6b: {  	_ =	sfence.sel $0x180000  }
0x6c: {  	[bflag:$0x0] =	sbarrier.arrive $0xFFFF  }
0x6d: {  	p0 =	sne.s32 s0, $0x0;
	_ =	strace $0x90000047  }
0x6e: {  	s0 =	sadd.s32 @!p0 $0x100000, s1;
	[bflag:$0x2] =	sbarrier.arrive $0xFFFF  }
0x6f: {  	[sflag:s0] =	ssyncadd.tile.s32 @!p0 $0x1;
	_ =	shalt  }
.Lfunc_end2:
_tile_overlayer_lowered:
.L_overlay_start_2:
0x70: {  	(tag) =	ssettag $0x2  }
0x71: {  	s0 =	rddreg [dreg:$0x0];
	s2 =	stileid.u32  }
0x72: {  	s1 =	rddreg [dreg:$0x1];
	p0 =	sne.s32 s2, $0x0  }
0x73: {  	s3 =	rddreg [dreg:$0x2];
	[bflag:$0x3] =	sbarrier.arrive $0xFFFF;
	s2 =	simm.s32 @!p0 $0x1C02  }
0x74: {  	[timem:s3], [sflag:s2] =	dma.local @!p0 [hbm:s0], s1  }
0x75: {  	s0 =	simm.s32 @!p0 $0x2  }
0x76: {  	_ =	swait.ge @!p0 [sflag:s0], s1  }
0x77: {  	s1 =	ssub.s32 @!p0 $0x0, s1;
	[sflag:s0] =	ssyncset.done @!p0 $0x0  }
0x78: {  	[sflag:s0] =	ssyncadd.s32 @!p0 s1  }
0x79: {  	[bflag:$0x3] =	sbarrier.arrive $0xFFFF  }
0x7a: {  	_ =	shalt  }

</sc_bundles>
